<compile_context>
chip_gen: v7x
topology: tpu7x:2x2x1
jax: 0.10.2.dev20260603
libtpu: 0.0.44.dev20260713+nightly
codegen_flags: <defaults>
</compile_context>

<pallas_src>
import functools

import jax
import jax.numpy as jnp
from jax import lax
from jax.experimental import pallas as pl
from jax.experimental.pallas import tpu as pltpu
from jax.experimental.pallas import tpu_sc as plsc

R, C = 64, 32768
B = 4096
L = 16

_info = plsc.get_sparse_core_info()
_NC, _NS = _info.num_cores, _info.num_subcores
NW = _NC * _NS
ROWS_PER_W = R // NW

_mesh = plsc.VectorSubcoreMesh(core_axis_name="c", subcore_axis_name="s")


@functools.partial(
    pl.kernel,
    mesh=_mesh,
    out_type=jax.ShapeDtypeStruct((R, B), jnp.float32),
    scratch_types=[
        [pltpu.VMEM((C,), jnp.float32) for _ in range(ROWS_PER_W)],
        [pltpu.VMEM((B,), jnp.int32) for _ in range(ROWS_PER_W)],
        [pltpu.VMEM((B,), jnp.float32) for _ in range(ROWS_PER_W)],
        [pltpu.SemaphoreType.DMA for _ in range(ROWS_PER_W)],
        [pltpu.SemaphoreType.DMA for _ in range(ROWS_PER_W)],
    ],
    compiler_params=pltpu.CompilerParams(
        needs_layout_passes=False,
    ),
)
def _gather_rows(x_hbm, y_hbm, out_hbm, rows_v, idxs_v, outs_v, in_sems, out_sems):
    wid = lax.axis_index("s") * _NC + lax.axis_index("c")

    in_copies = []
    for r in range(ROWS_PER_W):
        row = wid * ROWS_PER_W + r
        cx = pltpu.make_async_copy(x_hbm.at[row], rows_v[r], in_sems[r])
        cy = pltpu.make_async_copy(y_hbm.at[row], idxs_v[r], in_sems[r])
        cx.start()
        cy.start()
        in_copies.append((cx, cy))

    out_copies = []
    for r in range(ROWS_PER_W):
        row = wid * ROWS_PER_W + r
        cx, cy = in_copies[r]
        cx.wait()
        cy.wait()
        row_v, idx_v, out_v = rows_v[r], idxs_v[r], outs_v[r]

        @plsc.parallel_loop(0, B // L, unroll=8)
        def _(j):
            base = j * L
            idx = idx_v[pl.ds(base, L)]
            out_v[pl.ds(base, L)] = plsc.load_gather(row_v, [idx])

        co = pltpu.make_async_copy(out_v, out_hbm.at[row], out_sems[r])
        co.start()
        out_copies.append(co)

    for co in out_copies:
        co.wait()


def kernel(x, y):
    return _gather_rows(x, y.astype(jnp.int32))

# --- scband reference (transcript-rebuilt; emitter-appended) ---
"""Pipeline reference for scband-torch-gather-83631603187996 (READ-ONLY COPY).

The authoritative reference and input builder live on the scoring server;
editing this copy changes nothing except your own understanding.
"""

import jax, jax.numpy as jnp
import numpy as np


def setup_inputs(seed: int = 0) -> dict:
    key = jax.random.key(seed)
    k1, k2 = jax.random.split(key)
    x = jax.random.normal(k1, (64, 32768), dtype=jnp.float32)
    y = jax.random.randint(k2, (64, 4096), 0, 32768, dtype=jnp.int64)
    return {"x": x, "y": y}


def reference(x, y):
    # torch.gather(x, dim=1, index=y) == take_along_axis on axis 1
    return jnp.take_along_axis(x, y, axis=1)

if __name__ == "__main__":
    import jax
    _d = setup_inputs()
    print(jax.jit(kernel)(*tuple(_d.values())))

</pallas_src>

<mosaic_0001>
#map = affine_map<(d0, d1) -> (0, 0)>
module attributes {stable_mosaic.version = 14 : i64} {
  func.func @_gather_rows(%arg0: i32, %arg1: i32, %arg2: memref<64x32768xf32, #tpu.memory_space<hbm>>, %arg3: memref<64x4096xi32, #tpu.memory_space<hbm>>, %arg4: memref<64x4096xf32, #tpu.memory_space<hbm>>, %arg5: memref<32768xf32, #tpu.memory_space<vmem>>, %arg6: memref<32768xf32, #tpu.memory_space<vmem>>, %arg7: memref<4096xi32, #tpu.memory_space<vmem>>, %arg8: memref<4096xi32, #tpu.memory_space<vmem>>, %arg9: memref<4096xf32, #tpu.memory_space<vmem>>, %arg10: memref<4096xf32, #tpu.memory_space<vmem>>, %arg11: memref<!tpu.dma_semaphore, #tpu.memory_space<semaphore_mem>>, %arg12: memref<!tpu.dma_semaphore, #tpu.memory_space<semaphore_mem>>, %arg13: memref<!tpu.dma_semaphore, #tpu.memory_space<semaphore_mem>>, %arg14: memref<!tpu.dma_semaphore, #tpu.memory_space<semaphore_mem>>) attributes {dimension_semantics = [#tpu.dimension_semantics<core_parallel>, #tpu.dimension_semantics<subcore_parallel>], iteration_bounds = array<i64: 2, 16>, scalar_prefetch = 0 : i64, scratch_operands = 10 : i64, tpu.core_type = #tpu.core_type<sc_vector_subcore>, window_params = [{transform_indices = #map}, {transform_indices = #map}, {transform_indices = #map}]} {
    %mul3A = arith.constant 2 : i32
    %mul3A_0 = arith.muli %arg1, %mul3A : i32
    %add3A = arith.addi %mul3A_0, %arg0 : i32
    %mul3A_1 = arith.constant 2 : i32
    %mul3A_2 = arith.muli %add3A, %mul3A_1 : i32
    %add3A_3 = arith.constant 0 : i32
    %add3A_4 = arith.addi %mul3A_2, %add3A_3 : i32
    %dma_start3A = arith.constant 0 : i32
    %dma_start3A_5 = tpu.memref_slice %arg2[%add3A_4, %dma_start3A] : memref<64x32768xf32, #tpu.memory_space<hbm>> -> memref<1x32768xf32, #tpu.memory_space<hbm>>
    %dma_start3A_6 = tpu.memref_squeeze %dma_start3A_5 : memref<1x32768xf32, #tpu.memory_space<hbm>> -> memref<32768xf32, #tpu.memory_space<hbm>>
    %dma_start3A_7 = arith.constant 0 : i32
    %dma_start3A_8 = tpu.memref_slice %arg2[%add3A_4, %dma_start3A_7] : memref<64x32768xf32, #tpu.memory_space<hbm>> -> memref<1x32768xf32, #tpu.memory_space<hbm>>
    %dma_start3A_9 = tpu.memref_squeeze %dma_start3A_8 : memref<1x32768xf32, #tpu.memory_space<hbm>> -> memref<32768xf32, #tpu.memory_space<hbm>>
    tpu.enqueue_dma source(%dma_start3A_9 : memref<32768xf32, #tpu.memory_space<hbm>>) target(%arg5 : memref<32768xf32, #tpu.memory_space<vmem>>) target_semaphore(%arg11 : memref<!tpu.dma_semaphore, #tpu.memory_space<semaphore_mem>>)
    %dma_start3A_10 = arith.constant 0 : i32
    %dma_start3A_11 = tpu.memref_slice %arg3[%add3A_4, %dma_start3A_10] : memref<64x4096xi32, #tpu.memory_space<hbm>> -> memref<1x4096xi32, #tpu.memory_space<hbm>>
    %dma_start3A_12 = tpu.memref_squeeze %dma_start3A_11 : memref<1x4096xi32, #tpu.memory_space<hbm>> -> memref<4096xi32, #tpu.memory_space<hbm>>
    %dma_start3A_13 = arith.constant 0 : i32
    %dma_start3A_14 = tpu.memref_slice %arg3[%add3A_4, %dma_start3A_13] : memref<64x4096xi32, #tpu.memory_space<hbm>> -> memref<1x4096xi32, #tpu.memory_space<hbm>>
    %dma_start3A_15 = tpu.memref_squeeze %dma_start3A_14 : memref<1x4096xi32, #tpu.memory_space<hbm>> -> memref<4096xi32, #tpu.memory_space<hbm>>
    tpu.enqueue_dma source(%dma_start3A_15 : memref<4096xi32, #tpu.memory_space<hbm>>) target(%arg7 : memref<4096xi32, #tpu.memory_space<vmem>>) target_semaphore(%arg11 : memref<!tpu.dma_semaphore, #tpu.memory_space<semaphore_mem>>)
    %mul3A_16 = arith.constant 2 : i32
    %mul3A_17 = arith.muli %add3A, %mul3A_16 : i32
    %add3A_18 = arith.constant 1 : i32
    %add3A_19 = arith.addi %mul3A_17, %add3A_18 : i32
    %dma_start3A_20 = arith.constant 0 : i32
    %dma_start3A_21 = tpu.memref_slice %arg2[%add3A_19, %dma_start3A_20] : memref<64x32768xf32, #tpu.memory_space<hbm>> -> memref<1x32768xf32, #tpu.memory_space<hbm>>
    %dma_start3A_22 = tpu.memref_squeeze %dma_start3A_21 : memref<1x32768xf32, #tpu.memory_space<hbm>> -> memref<32768xf32, #tpu.memory_space<hbm>>
    %dma_start3A_23 = arith.constant 0 : i32
    %dma_start3A_24 = tpu.memref_slice %arg2[%add3A_19, %dma_start3A_23] : memref<64x32768xf32, #tpu.memory_space<hbm>> -> memref<1x32768xf32, #tpu.memory_space<hbm>>
    %dma_start3A_25 = tpu.memref_squeeze %dma_start3A_24 : memref<1x32768xf32, #tpu.memory_space<hbm>> -> memref<32768xf32, #tpu.memory_space<hbm>>
    tpu.enqueue_dma source(%dma_start3A_25 : memref<32768xf32, #tpu.memory_space<hbm>>) target(%arg6 : memref<32768xf32, #tpu.memory_space<vmem>>) target_semaphore(%arg12 : memref<!tpu.dma_semaphore, #tpu.memory_space<semaphore_mem>>)
    %dma_start3A_26 = arith.constant 0 : i32
    %dma_start3A_27 = tpu.memref_slice %arg3[%add3A_19, %dma_start3A_26] : memref<64x4096xi32, #tpu.memory_space<hbm>> -> memref<1x4096xi32, #tpu.memory_space<hbm>>
    %dma_start3A_28 = tpu.memref_squeeze %dma_start3A_27 : memref<1x4096xi32, #tpu.memory_space<hbm>> -> memref<4096xi32, #tpu.memory_space<hbm>>
    %dma_start3A_29 = arith.constant 0 : i32
    %dma_start3A_30 = tpu.memref_slice %arg3[%add3A_19, %dma_start3A_29] : memref<64x4096xi32, #tpu.memory_space<hbm>> -> memref<1x4096xi32, #tpu.memory_space<hbm>>
    %dma_start3A_31 = tpu.memref_squeeze %dma_start3A_30 : memref<1x4096xi32, #tpu.memory_space<hbm>> -> memref<4096xi32, #tpu.memory_space<hbm>>
    tpu.enqueue_dma source(%dma_start3A_31 : memref<4096xi32, #tpu.memory_space<hbm>>) target(%arg8 : memref<4096xi32, #tpu.memory_space<vmem>>) target_semaphore(%arg12 : memref<!tpu.dma_semaphore, #tpu.memory_space<semaphore_mem>>)
    %mul3A_32 = arith.constant 2 : i32
    %mul3A_33 = arith.muli %add3A, %mul3A_32 : i32
    %add3A_34 = arith.constant 0 : i32
    %add3A_35 = arith.addi %mul3A_33, %add3A_34 : i32
    %dma_wait3A = arith.constant 0 : i32
    %dma_wait3A_36 = tpu.memref_slice %arg2[%add3A_4, %dma_wait3A] : memref<64x32768xf32, #tpu.memory_space<hbm>> -> memref<1x32768xf32, #tpu.memory_space<hbm>>
    %dma_wait3A_37 = tpu.memref_squeeze %dma_wait3A_36 : memref<1x32768xf32, #tpu.memory_space<hbm>> -> memref<32768xf32, #tpu.memory_space<hbm>>
    %dma_wait3A_38 = arith.constant 0 : i32
    %dma_wait3A_39 = tpu.memref_slice %arg2[%add3A_4, %dma_wait3A_38] : memref<64x32768xf32, #tpu.memory_space<hbm>> -> memref<1x32768xf32, #tpu.memory_space<hbm>>
    %dma_wait3A_40 = tpu.memref_squeeze %dma_wait3A_39 : memref<1x32768xf32, #tpu.memory_space<hbm>> -> memref<32768xf32, #tpu.memory_space<hbm>>
    tpu.wait_dma2 semaphore(%arg11 : memref<!tpu.dma_semaphore, #tpu.memory_space<semaphore_mem>>) src(%dma_wait3A_40 : memref<32768xf32, #tpu.memory_space<hbm>>) dst(%arg5 : memref<32768xf32, #tpu.memory_space<vmem>>)
    %dma_wait3A_41 = arith.constant 0 : i32
    %dma_wait3A_42 = tpu.memref_slice %arg3[%add3A_4, %dma_wait3A_41] : memref<64x4096xi32, #tpu.memory_space<hbm>> -> memref<1x4096xi32, #tpu.memory_space<hbm>>
    %dma_wait3A_43 = tpu.memref_squeeze %dma_wait3A_42 : memref<1x4096xi32, #tpu.memory_space<hbm>> -> memref<4096xi32, #tpu.memory_space<hbm>>
    %dma_wait3A_44 = arith.constant 0 : i32
    %dma_wait3A_45 = tpu.memref_slice %arg3[%add3A_4, %dma_wait3A_44] : memref<64x4096xi32, #tpu.memory_space<hbm>> -> memref<1x4096xi32, #tpu.memory_space<hbm>>
    %dma_wait3A_46 = tpu.memref_squeeze %dma_wait3A_45 : memref<1x4096xi32, #tpu.memory_space<hbm>> -> memref<4096xi32, #tpu.memory_space<hbm>>
    tpu.wait_dma2 semaphore(%arg11 : memref<!tpu.dma_semaphore, #tpu.memory_space<semaphore_mem>>) src(%dma_wait3A_46 : memref<4096xi32, #tpu.memory_space<hbm>>) dst(%arg7 : memref<4096xi32, #tpu.memory_space<vmem>>)
    %parallel_loop3A = arith.constant 0 : i32
    %parallel_loop3A_47 = arith.constant 256 : i32
    %parallel_loop3A_48 = arith.constant 1 : i32
    scf.for %parallel_loop3A_92 = %parallel_loop3A to %parallel_loop3A_47 step %parallel_loop3A_48  : i32 {
      %parallel_loop3A_93 = arith.constant 16 : i32
      %parallel_loop3A_94 = arith.muli %parallel_loop3A_92, %parallel_loop3A_93 : i32
      %parallel_loop3A_95 = arith.index_cast %parallel_loop3A_94 : i32 to index
      %parallel_loop3A_96 = tpu.vector_load %arg7[%parallel_loop3A_95] {strides = array<i32>} : memref<4096xi32, #tpu.memory_space<vmem>>, vector<16xi32>,
      %parallel_loop3A_97 = tpu.vector_load_idx %arg5[%parallel_loop3A_96] : memref<32768xf32, #tpu.memory_space<vmem>>[vector<16xi32>], vector<16xf32>,
      %parallel_loop3A_98 = arith.index_cast %parallel_loop3A_94 : i32 to index
      %parallel_loop3A_99 = tpu.vector_load %arg9[%parallel_loop3A_98] {strides = array<i32>} : memref<4096xf32, #tpu.memory_space<vmem>>, vector<16xf32>,
      tpu.vector_store %arg9[%parallel_loop3A_98], %parallel_loop3A_97 {strides = array<i32>} : memref<4096xf32, #tpu.memory_space<vmem>>, vector<16xf32>,
    } {sc.loop_unroll_factor = 8 : i64, sc.parallel_access}
    %dma_start3A_49 = arith.constant 0 : i32
    %dma_start3A_50 = tpu.memref_slice %arg4[%add3A_35, %dma_start3A_49] : memref<64x4096xf32, #tpu.memory_space<hbm>> -> memref<1x4096xf32, #tpu.memory_space<hbm>>
    %dma_start3A_51 = tpu.memref_squeeze %dma_start3A_50 : memref<1x4096xf32, #tpu.memory_space<hbm>> -> memref<4096xf32, #tpu.memory_space<hbm>>
    %dma_start3A_52 = arith.constant 0 : i32
    %dma_start3A_53 = tpu.memref_slice %arg4[%add3A_35, %dma_start3A_52] : memref<64x4096xf32, #tpu.memory_space<hbm>> -> memref<1x4096xf32, #tpu.memory_space<hbm>>
    %dma_start3A_54 = tpu.memref_squeeze %dma_start3A_53 : memref<1x4096xf32, #tpu.memory_space<hbm>> -> memref<4096xf32, #tpu.memory_space<hbm>>
    tpu.enqueue_dma source(%arg9 : memref<4096xf32, #tpu.memory_space<vmem>>) target(%dma_start3A_54 : memref<4096xf32, #tpu.memory_space<hbm>>) target_semaphore(%arg13 : memref<!tpu.dma_semaphore, #tpu.memory_space<semaphore_mem>>)
    %mul3A_55 = arith.constant 2 : i32
    %mul3A_56 = arith.muli %add3A, %mul3A_55 : i32
    %add3A_57 = arith.constant 1 : i32
    %add3A_58 = arith.addi %mul3A_56, %add3A_57 : i32
    %dma_wait3A_59 = arith.constant 0 : i32
    %dma_wait3A_60 = tpu.memref_slice %arg2[%add3A_19, %dma_wait3A_59] : memref<64x32768xf32, #tpu.memory_space<hbm>> -> memref<1x32768xf32, #tpu.memory_space<hbm>>
    %dma_wait3A_61 = tpu.memref_squeeze %dma_wait3A_60 : memref<1x32768xf32, #tpu.memory_space<hbm>> -> memref<32768xf32, #tpu.memory_space<hbm>>
    %dma_wait3A_62 = arith.constant 0 : i32
    %dma_wait3A_63 = tpu.memref_slice %arg2[%add3A_19, %dma_wait3A_62] : memref<64x32768xf32, #tpu.memory_space<hbm>> -> memref<1x32768xf32, #tpu.memory_space<hbm>>
    %dma_wait3A_64 = tpu.memref_squeeze %dma_wait3A_63 : memref<1x32768xf32, #tpu.memory_space<hbm>> -> memref<32768xf32, #tpu.memory_space<hbm>>
    tpu.wait_dma2 semaphore(%arg12 : memref<!tpu.dma_semaphore, #tpu.memory_space<semaphore_mem>>) src(%dma_wait3A_64 : memref<32768xf32, #tpu.memory_space<hbm>>) dst(%arg6 : memref<32768xf32, #tpu.memory_space<vmem>>)
    %dma_wait3A_65 = arith.constant 0 : i32
    %dma_wait3A_66 = tpu.memref_slice %arg3[%add3A_19, %dma_wait3A_65] : memref<64x4096xi32, #tpu.memory_space<hbm>> -> memref<1x4096xi32, #tpu.memory_space<hbm>>
    %dma_wait3A_67 = tpu.memref_squeeze %dma_wait3A_66 : memref<1x4096xi32, #tpu.memory_space<hbm>> -> memref<4096xi32, #tpu.memory_space<hbm>>
    %dma_wait3A_68 = arith.constant 0 : i32
    %dma_wait3A_69 = tpu.memref_slice %arg3[%add3A_19, %dma_wait3A_68] : memref<64x4096xi32, #tpu.memory_space<hbm>> -> memref<1x4096xi32, #tpu.memory_space<hbm>>
    %dma_wait3A_70 = tpu.memref_squeeze %dma_wait3A_69 : memref<1x4096xi32, #tpu.memory_space<hbm>> -> memref<4096xi32, #tpu.memory_space<hbm>>
    tpu.wait_dma2 semaphore(%arg12 : memref<!tpu.dma_semaphore, #tpu.memory_space<semaphore_mem>>) src(%dma_wait3A_70 : memref<4096xi32, #tpu.memory_space<hbm>>) dst(%arg8 : memref<4096xi32, #tpu.memory_space<vmem>>)
    %parallel_loop3A_71 = arith.constant 0 : i32
    %parallel_loop3A_72 = arith.constant 256 : i32
    %parallel_loop3A_73 = arith.constant 1 : i32
    scf.for %parallel_loop3A_92 = %parallel_loop3A_71 to %parallel_loop3A_72 step %parallel_loop3A_73  : i32 {
      %parallel_loop3A_93 = arith.constant 16 : i32
      %parallel_loop3A_94 = arith.muli %parallel_loop3A_92, %parallel_loop3A_93 : i32
      %parallel_loop3A_95 = arith.index_cast %parallel_loop3A_94 : i32 to index
      %parallel_loop3A_96 = tpu.vector_load %arg8[%parallel_loop3A_95] {strides = array<i32>} : memref<4096xi32, #tpu.memory_space<vmem>>, vector<16xi32>,
      %parallel_loop3A_97 = tpu.vector_load_idx %arg6[%parallel_loop3A_96] : memref<32768xf32, #tpu.memory_space<vmem>>[vector<16xi32>], vector<16xf32>,
      %parallel_loop3A_98 = arith.index_cast %parallel_loop3A_94 : i32 to index
      %parallel_loop3A_99 = tpu.vector_load %arg10[%parallel_loop3A_98] {strides = array<i32>} : memref<4096xf32, #tpu.memory_space<vmem>>, vector<16xf32>,
      tpu.vector_store %arg10[%parallel_loop3A_98], %parallel_loop3A_97 {strides = array<i32>} : memref<4096xf32, #tpu.memory_space<vmem>>, vector<16xf32>,
    } {sc.loop_unroll_factor = 8 : i64, sc.parallel_access}
    %dma_start3A_74 = arith.constant 0 : i32
    %dma_start3A_75 = tpu.memref_slice %arg4[%add3A_58, %dma_start3A_74] : memref<64x4096xf32, #tpu.memory_space<hbm>> -> memref<1x4096xf32, #tpu.memory_space<hbm>>
    %dma_start3A_76 = tpu.memref_squeeze %dma_start3A_75 : memref<1x4096xf32, #tpu.memory_space<hbm>> -> memref<4096xf32, #tpu.memory_space<hbm>>
    %dma_start3A_77 = arith.constant 0 : i32
    %dma_start3A_78 = tpu.memref_slice %arg4[%add3A_58, %dma_start3A_77] : memref<64x4096xf32, #tpu.memory_space<hbm>> -> memref<1x4096xf32, #tpu.memory_space<hbm>>
    %dma_start3A_79 = tpu.memref_squeeze %dma_start3A_78 : memref<1x4096xf32, #tpu.memory_space<hbm>> -> memref<4096xf32, #tpu.memory_space<hbm>>
    tpu.enqueue_dma source(%arg10 : memref<4096xf32, #tpu.memory_space<vmem>>) target(%dma_start3A_79 : memref<4096xf32, #tpu.memory_space<hbm>>) target_semaphore(%arg14 : memref<!tpu.dma_semaphore, #tpu.memory_space<semaphore_mem>>)
    %dma_wait3A_80 = arith.constant 0 : i32
    %dma_wait3A_81 = tpu.memref_slice %arg4[%add3A_35, %dma_wait3A_80] : memref<64x4096xf32, #tpu.memory_space<hbm>> -> memref<1x4096xf32, #tpu.memory_space<hbm>>
    %dma_wait3A_82 = tpu.memref_squeeze %dma_wait3A_81 : memref<1x4096xf32, #tpu.memory_space<hbm>> -> memref<4096xf32, #tpu.memory_space<hbm>>
    %dma_wait3A_83 = arith.constant 0 : i32
    %dma_wait3A_84 = tpu.memref_slice %arg4[%add3A_35, %dma_wait3A_83] : memref<64x4096xf32, #tpu.memory_space<hbm>> -> memref<1x4096xf32, #tpu.memory_space<hbm>>
    %dma_wait3A_85 = tpu.memref_squeeze %dma_wait3A_84 : memref<1x4096xf32, #tpu.memory_space<hbm>> -> memref<4096xf32, #tpu.memory_space<hbm>>
    tpu.wait_dma2 semaphore(%arg13 : memref<!tpu.dma_semaphore, #tpu.memory_space<semaphore_mem>>) src(%arg9 : memref<4096xf32, #tpu.memory_space<vmem>>) dst(%dma_wait3A_85 : memref<4096xf32, #tpu.memory_space<hbm>>)
    %dma_wait3A_86 = arith.constant 0 : i32
    %dma_wait3A_87 = tpu.memref_slice %arg4[%add3A_58, %dma_wait3A_86] : memref<64x4096xf32, #tpu.memory_space<hbm>> -> memref<1x4096xf32, #tpu.memory_space<hbm>>
    %dma_wait3A_88 = tpu.memref_squeeze %dma_wait3A_87 : memref<1x4096xf32, #tpu.memory_space<hbm>> -> memref<4096xf32, #tpu.memory_space<hbm>>
    %dma_wait3A_89 = arith.constant 0 : i32
    %dma_wait3A_90 = tpu.memref_slice %arg4[%add3A_58, %dma_wait3A_89] : memref<64x4096xf32, #tpu.memory_space<hbm>> -> memref<1x4096xf32, #tpu.memory_space<hbm>>
    %dma_wait3A_91 = tpu.memref_squeeze %dma_wait3A_90 : memref<1x4096xf32, #tpu.memory_space<hbm>> -> memref<4096xf32, #tpu.memory_space<hbm>>
    tpu.wait_dma2 semaphore(%arg14 : memref<!tpu.dma_semaphore, #tpu.memory_space<semaphore_mem>>) src(%arg10 : memref<4096xf32, #tpu.memory_space<vmem>>) dst(%dma_wait3A_91 : memref<4096xf32, #tpu.memory_space<hbm>>)
    return
  }
}

</mosaic_0001>

<sc_bundles>
// kernel: kernel.3.cloned.1.call-start
scs
__scs_entry_jumppad:
0x0: {  	(pc) =	sbr.rel $0x88, $3  }
0x1: {  	(tag) =	ssettag $0x0;
	lr =	simm.s32 $0x1  }
0x2: {  	[smem:$0x3F9F] =	sst lr;
	_ =	strace $0xD0000000  }
0x3: {  	_ = 	snop  }
0x4: {  	_ = 	snop  }
0x5: {  	_ = 	snop  }
0x6: {  	_ = 	snop  }
0x7: {  	_ = 	snop  }
__scs_overlays_trampoline_lowered:
0x8: {  	[smem:$0x3FAE] =	sst s0  }
0x9: {  	[smem:$0x3FAF] =	sst s1  }
0xa: {  	[smem:$0x3FB0] =	sst s2  }
0xb: {  	[smem:$0x3FB1] =	sst s3  }
0xc: {  	[smem:$0x3FB2] =	sst s4  }
0xd: {  	[smem:$0x3FB3] =	sst s5  }
0xe: {  	[smem:$0x3FB4] =	sst s6  }
0xf: {  	[smem:$0x3FB5] =	sst s7  }
0x10: {  	[smem:$0x3FB6] =	sst s8  }
0x11: {  	[smem:$0x3FB7] =	sst s9;
	s0 =	simm.s32 @!p0 $0x0  }
0x12: {  	s1 =	sld [smem:$0x3F9D];
	s0 =	simm.s32 @p0 $0x1  }
0x13: {  	[smem:$0x3FB8] =	sst s0;
	s0 =	simm.s32 @!p1 $0x0  }
0x14: {  	s2 =	sld [smem:$0x3F9C];
	s0 =	simm.s32 @p1 $0x1  }
0x15: {  	[smem:$0x3FB9] =	sst s0;
	s0 =	simm.s32 @!p2 $0x0  }
0x16: {  	s3 =	sld [smem:$0x3FDB];
	s0 =	simm.s32 @p2 $0x1  }
0x17: {  	s4 =	simm.s32 $0x1BF5;
	[smem:$0x3FBB] =	sst s0  }
0x18: {  	s0 =	sld [smem:$0x3F9E];
	_ =	swait.ge [sflag:s4], $0x0  }
0x19: {  	s7 =	sld [smem:$0x3F9F]  }
0x1a: {  	s8 =	sadd.s32 $0xFFFFE003, lr  }
0x1b: {  	s9 =	sadd.s32 $0xFFFFFEF7, lr;
	s5 =	simm.s32 $0xFFFFFFFF;
	p2 =	slt.u32 s8, $0xFFFFF086  }
0x1c: {  	p1 =	slt.u32 s9, $0xF7A;
	s5 =	simm.s32 @!p2 $0x0  }
0x1d: {  	s5 =	simm.s32 @p1 $0x1;
	p0 =	seq.s32 s7, s2  }
0x1e: {  	s7 =	smul.u32 @!p0 $0xF7A, s2;
	p2 =	seq.s32 @!p0 s5, $0x0  }
0x1f: {  	s9 =	smul.u32 $0xF7A, s1;
	s8 =	simm.s32 @!p0 $0x1BF5;
	p2 =	por !p2, p0  }
0x20: {  	[sflag:s8] =	ssyncset.s32 @!p0 $0xFFFFF086;
	s6 =	sadd.s32 @!p0 s3, s7;
	s7 =	simm.s32 @!p0 $0x108  }
0x21: {  	s3 =	sadd.s32 s3, s9;
	s6 =	sadd.s32 @!p0 $0x88, s6;
	s7 =	simm.s32 @p2 $0x1082  }
0x22: {  	[simem:s7], [sflag:s8] =	dma.local @!p0 [hbm:s6], $0xF7A  }
0x23: {  	s9 =	sor.u32 $0xD0000000, s2;
	s6 =	simm.s32 $0x108;
	_ =	swait.ge @!p0 [sflag:s8], $0x0  }
0x24: {  	s3 =	sadd.s32 $0x88, s3;
	s6 =	simm.s32 @!p1 $0x1082;
	[sflag:s4] =	ssyncset.s32 $0xFFFFF086  }
0x25: {  	[simem:s6], [sflag:s4] =	dma.local [hbm:s3], $0xF7A  }
0x26: {  	[smem:$0x3F9F] =	sst s1;
	(tag) =	ssettag s2;
	_ =	strace s9  }
0x27: {  	s1 =	sld [smem:$0x3FAF]  }
0x28: {  	s2 =	sld [smem:$0x3FB0]  }
0x29: {  	s4 =	sld [smem:$0x3FB2]  }
0x2a: {  	p0 =	seq.s32 s5, $0x0;
	s5 =	sld [smem:$0x3FB3]  }
0x2b: {  	s6 =	sld [smem:$0x3FB4]  }
0x2c: {  	s7 =	sld [smem:$0x3FB5]  }
0x2d: {  	s3 =	simm.s32 $0x108;
	s8 =	sld [smem:$0x3FB6]  }
0x2e: {  	s3 =	simm.s32 @!p0 $0x1082;
	s9 =	sld [smem:$0x3FB7]  }
0x2f: {  	lr =	sadd.s32 s0, s3;
	s0 =	sld [smem:$0x3FAE]  }
0x30: {  	s3 =	sld [smem:$0x3FB1]  }
0x31: {  	[smem:$0x3FBA] =	sst s10  }
0x32: {  	s10 =	sld [smem:$0x3FB8];
	_ =	sdelay $0x3  }
0x33: {  	p0 =	seq.s32 s10, $0x1;
	s10 =	sld [smem:$0x3FBA];
	_ =	sdelay $0x3  }
0x34: {  	[smem:$0x3FBA] =	sst s10  }
0x35: {  	s10 =	sld [smem:$0x3FB9];
	_ =	sdelay $0x3  }
0x36: {  	p1 =	seq.s32 s10, $0x1;
	s10 =	sld [smem:$0x3FBA];
	_ =	sdelay $0x3  }
0x37: {  	[smem:$0x3FBA] =	sst s10  }
0x38: {  	s10 =	sld [smem:$0x3FBB]  }
0x39: {  	_ = 	snop;
	(pc) =	sbr.ind lr, $3  }
0x3a: {  	_ = 	snop  }
0x3b: {  	_ = 	snop  }
0x3c: {  	p2 =	seq.s32 s10, $0x1;
	s10 =	sld [smem:$0x3FBA]  }
0x3d: {  	_ =	shalt  }
0x3e: {  	_ =	shalt  }
0x3f: {  	_ =	shalt  }
0x40: {  	_ =	shalt  }
0x41: {  	_ =	shalt  }
0x42: {  	_ =	shalt  }
0x43: {  	_ =	shalt  }
0x44: {  	_ =	shalt  }
0x45: {  	_ =	shalt  }
0x46: {  	_ =	shalt  }
0x47: {  	_ =	shalt  }
0x48: {  	_ =	shalt  }
0x49: {  	_ =	shalt  }
0x4a: {  	_ =	shalt  }
0x4b: {  	_ =	shalt  }
0x4c: {  	_ =	shalt  }
0x4d: {  	_ =	shalt  }
0x4e: {  	_ =	shalt  }
0x4f: {  	_ =	shalt  }
0x50: {  	_ =	shalt  }
0x51: {  	_ =	shalt  }
0x52: {  	_ =	shalt  }
0x53: {  	_ =	shalt  }
0x54: {  	_ =	shalt  }
0x55: {  	_ =	shalt  }
0x56: {  	_ =	shalt  }
0x57: {  	_ =	shalt  }
0x58: {  	_ =	shalt  }
0x59: {  	_ =	shalt  }
0x5a: {  	_ =	shalt  }
0x5b: {  	_ =	shalt  }
0x5c: {  	_ =	shalt  }
0x5d: {  	_ =	shalt  }
0x5e: {  	_ =	shalt  }
0x5f: {  	_ =	shalt  }
0x60: {  	_ =	shalt  }
0x61: {  	_ =	shalt  }
0x62: {  	_ =	shalt  }
0x63: {  	_ =	shalt  }
0x64: {  	_ =	shalt  }
0x65: {  	_ =	shalt  }
0x66: {  	_ =	shalt  }
0x67: {  	_ =	shalt  }
0x68: {  	_ =	shalt  }
0x69: {  	_ =	shalt  }
0x6a: {  	_ =	shalt  }
0x6b: {  	_ =	shalt  }
0x6c: {  	_ =	shalt  }
0x6d: {  	_ =	shalt  }
0x6e: {  	_ =	shalt  }
0x6f: {  	_ =	shalt  }
0x70: {  	_ =	shalt  }
0x71: {  	_ =	shalt  }
0x72: {  	_ =	shalt  }
0x73: {  	_ =	shalt  }
0x74: {  	_ =	shalt  }
0x75: {  	_ =	shalt  }
0x76: {  	_ =	shalt  }
0x77: {  	_ =	shalt  }
0x78: {  	_ =	shalt  }
0x79: {  	_ =	shalt  }
0x7a: {  	_ =	shalt  }
0x7b: {  	_ =	shalt  }
0x7c: {  	_ =	shalt  }
0x7d: {  	_ =	shalt  }
0x7e: {  	_ =	shalt  }
0x7f: {  	_ =	shalt  }
0x80: {  	_ =	shalt  }
0x81: {  	_ =	shalt  }
0x82: {  	_ =	shalt  }
0x83: {  	_ =	shalt  }
0x84: {  	_ =	shalt  }
0x85: {  	_ =	shalt  }
0x86: {  	_ =	shalt  }
0x87: {  	_ =	shalt  }
.Lfunc_end0:
.L_simem_size_0:
called_computation_lowered:
.L_overlay_start_0:
0x88: {  	s2 =	sld [smem:$0x3FD9]  }
0x89: {  	s3 =	sld [smem:$0x3FFE];
	_ =	sdelay $0x1  }
0x8a: {  	s1 =	srdreg.scid  }
0x8b: {  	s0 =	sand.u32 $0x1, s1  }
0x8c: {  	s18 =	sshll.u32 s0, $0xA;
	s2 =	sadd.s32 s3, s2  }
0x8d: {  	s2 =	sadd.s32 s2, s18  }
0x8e: {  	[smem:$0x3FC6] =	sst s2  }
0x8f: {  	_ = 	snop  }
0x90: {  	s2 =	sld [smem:$0x3FC9]  }
0x91: {  	s19 =	sld [smem:$0x3FC8]  }
0x92: {  	s4 =	sld [smem:$0x3FD0];
	(tm) =	ssettm $0x1  }
0x93: {  	s5 =	sld [smem:$0x3FFB];
	_ =	sdelay $0x3  }
0x94: {  	_ =	strace s5  }
0x95: {  	s5 =	sld [smem:$0x3FFC];
	_ =	sdelay $0x3  }
0x96: {  	_ =	strace s5  }
0x97: {  	s5 =	sld [smem:$0x3FFD];
	_ =	sdelay $0x3  }
0x98: {  	_ =	strace s5  }
0x99: {  	_ =	strace $0x8FFFFFFF  }
0x9a: {  	s20 =	sld [smem:$0x3FDB];
	_ =	sdelay $0x1  }
0x9b: {  	s6 =	simm.s32 $_scs_section_size  }
0x9c: {  	s7 =	simm.s32 $_size__tile_overlayer_lowered;
	s8 =	simm.s32 $_tile_overlayer_lowered  }
0x9d: {  	s23 =	simm.s32 $0x1BFF;
	s22 =	sshll.u32 s8, $0x1;
	s5 =	sadd.s32 s6, s20  }
0x9e: {  	s9 =	simm.s32 $0x0;
	s21 =	sshll.u32 s7, $0x1;
	s7 =	sadd.s32 s22, s5  }
0x9f: {  	[timem:s9], [sflag:s23] =	dma.local [hbm:s7], s21  }
0xa0: {  	_ =	swait.ge [sflag:s23], s21  }
0xa1: {  	s6 =	ssub.s32 $0x0, s21;
	[sflag:s23] =	ssyncset.done $0x0  }
0xa2: {  	[sflag:s23] =	ssyncadd.s32 s6;
	_ =	sdelay $0x1  }
0xa3: {  	s24 =	simm.s32 $0x1B8B  }
0xa4: {  	_ =	swait.ge [sflag:s24], $0x1  }
0xa5: {  	[sflag:s24] =	ssyncset.done $0x0  }
0xa6: {  	s25 =	simm.s32 $0x1B8E;
	[sflag:s24] =	ssyncadd.s32 $0xFFFFFFFF  }
0xa7: {  	s26 =	simm.s32 $execute0_lowered;
	[smem:$0x3FD2] =	sst s25  }
0xa8: {  	s6 =	sshll.u32 s26, $0x1;
	_ =	strace $0x80000046;
	[dreg:$0x1] =	wrdreg $0xFFFFFFFF  }
0xa9: {  	s28 =	simm.s32 $_size_execute0_lowered;
	s5 =	sadd.s32 s5, s6;
	[dreg:$0x0] =	wrdreg $0x0  }
0xaa: {  	s6 =	sshll.u32 s28, $0x1;
	[dreg:$0x2] =	wrdreg s5  }
0xab: {  	[dreg:$0x3] =	wrdreg s6  }
0xac: {  	[dreg:$0x4] =	wrdreg $0xC0  }
0xad: {  	_ =	task [dreg:s9], $0x5FFFF  }
0xae: {  	[dreg:$0x1] =	wrdreg $0xFFFFFFFF  }
0xaf: {  	[dreg:$0x0] =	wrdreg $0x60  }
0xb0: {  	[dreg:$0x2] =	wrdreg s2  }
0xb1: {  	[dreg:$0x3] =	wrdreg s19  }
0xb2: {  	[dreg:$0x4] =	wrdreg s4  }
0xb3: {  	[dreg:$0x5] =	wrdreg $0x9  }
0xb4: {  	_ =	task.clear_ibuf [dreg:s9], $0x6FFFF;
	_ =	strace $0x90000046  }
0xb5: {  	s29 =	simm.s32 $0x9;
	_ =	strace $0x80000048  }
0xb6: {  	_ =	swait.ge [sflag:s29], $0x1  }
0xb7: {  	[sflag:s29] =	ssyncadd.s32 $0xFFFFFFFF  }
0xb8: {  	_ =	strace $0x90000048  }
0xb9: {  	_ =	sfence  }
0xba: {  	s30 =	sld [smem:$0x0];
	_ =	sdelay $0x2  }
0xbb: {  	s31 =	sshll.u32 s1, $0xD;
	s1 =	sshrl.u32 s1, $0x2  }
0xbc: {  	s3 =	sand.u32 $0x4000, s31;
	s1 =	sadd.s32 s1, s30  }
0xbd: {  	s0 =	sor.u32 s3, s0;
	s1 =	sshll.u32 s1, $0x11  }
0xbe: {  	s0 =	sor.u32 s1, s0  }
0xbf: {  	s0 =	sadd.s32 $0x8F2B, s0  }
0xc0: {  	[sflag:s0] =	ssyncadd.remote.s32 $0x1  }
0xc1: {  	_ =	sfence.sel $0xFFFF  }
0xc2: {  	[dreg:$0x0] =	wrdreg $0xFFFFFFFF;
	(pc) =	sbr.abs _section_cstart, $3  }
0xc3: {  	[dreg:$0x1] =	wrdreg $0xFFFFFFFF  }
0xc4: {  	_ =	task.clear_ibuf [dreg:s9], $0x2FFFF;
	_ =	strace $0x9FFFFFFF  }
0xc5: {  	(tm) =	ssettm $0x7FFFFFFF  }
tec
execute0_lowered:
.L_overlay_start_1:
0x0: {  	(tag) =	ssettag $0x1  }
0x1: {  	s5 =	rddreg [dreg:$0x0]  }
0x2: {  	s6 =	rddreg [dreg:$0x1]  }
0x3: {  	s8 =	rddreg [dreg:$0x2]  }
0x4: {  	s0 =	rddreg [dreg:$0x3]  }
0x5: {  	s3 =	srdreg.scid;
	s1 =	stileid.u32  }
0x6: {  	s2 =	simm.s32 $0x0;
	s13 =	simm.s32 $0x8000;
	s14 =	simm.s32 $0x11000  }
0x7: {  	s15 =	simm.s32 $0x1;
	s16 =	simm.s32 $0x12000;
	s17 =	simm.s32 $0x2  }
0x8: {  	s18 =	simm.s32 $0x13000;
	s19 =	simm.s32 $0x3;
	s20 =	simm.s32 $0x4  }
0x9: {  	s21 =	simm.s32 $0x0;
	s3 =	sand.u32 $0x1, s3;
	s4 =	sshll.u32 s1, $0x9  }
0xa: {  	s9 =	sshrl.u32 s1, $0x1;
	[smem:$0x7FF] =	sst s2;
	s7 =	sshll.u32 s3, $0x8  }
0xb: {  	s4 =	sand.u32 $0x200, s4;
	s3 =	ssub.s32 $0x2, s3;
	s10 =	sshll.u32 s9, $0x12  }
0xc: {  	_ =	strace $0x80000047;
	s4 =	sor.u32 s7, s4;
	s25 =	sshrl.u32 s3, $0x1  }
0xd: {  	s28 =	sshll.u32 s9, $0xF;
	s11 =	sor.u32 s10, s4;
	s12 =	ssub.s32 s3, s25  }
0xe: {  	s29 =	sor.u32 $0x80, s4;
	s4 =	sor.u32 s28, s4;
	s26 =	sshrl.u32 s11, $0x3  }
0xf: {  	s10 =	sor.u32 s10, s29;
	s7 =	sor.u32 s28, s29;
	s30 =	sshrl.u32 s4, $0x3  }
0x10: {  	s9 =	smax.u32 s12, $0x1;
	s11 =	simm.s32 $0x400;
	s12 =	simm.s32 $0x10000  }
0x11: {  	s3 =	sadd.s32 s5, s26;
	s10 =	sshrl.u32 s10, $0x3;
	s31 =	sshrl.u32 s7, $0x3  }
0x12: {  	s4 =	sadd.s32 s6, s30;
	s7 =	sadd.s32 s8, s30;
	s5 =	sadd.s32 s5, s10  }
0x13: {  	s6 =	sadd.s32 s6, s31;
	s8 =	sadd.s32 s8, s31;
	s10 =	simm.s32 $0x80  }
.LBB2_1:
0x14: {  	[tilespmem:s2], [sflag:$0x1] =	stream.strided.gather [hbm4b:s3+s10], $0x8000, s11, s10, $0x38;
	[tilespmem:$0x14000] =	vst v63  }
0x15: {  	_ = 	snop  }
0x16: {  	[tilespmem:s12], [sflag:$0x1] =	stream.strided.gather [hbm4b:s4+s10], $0x1000, s11, s10, $0x38;
	[tilespmem:$0x14000] =	vst v63  }
0x17: {  	_ = 	snop  }
0x18: {  	[tilespmem:s13], [sflag:$0x2] =	stream.strided.gather [hbm4b:s5+s10], $0x8000, s11, s10, $0x38;
	[tilespmem:$0x14000] =	vst v63  }
0x19: {  	_ = 	snop  }
0x1a: {  	[tilespmem:s14], [sflag:$0x2] =	stream.strided.gather [hbm4b:s6+s10], $0x1000, s11, s10, $0x38;
	[tilespmem:$0x14000] =	vst v63  }
0x1b: {  	_ =	swait.ge [sflag:s15], $0x8000  }
0x1c: {  	[sflag:s15] =	ssyncset.done $0x0  }
0x1d: {  	[sflag:s15] =	ssyncadd.s32 $0xFFFF8000  }
0x1e: {  	_ =	swait.ge [sflag:s15], $0x1000  }
0x1f: {  	[sflag:s15] =	ssyncset.done $0x0  }
0x20: {  	s22 =	simm.s32 $0x10040;
	[sflag:s15] =	ssyncadd.s32 $0xFFFFF000  }
0x21: {  	v0 =	vld [tilespmem:s22+$0x30]  }
0x22: {  	v1 =	vld [tilespmem:s22+$0xFFFFFFD0]  }
0x23: {  	v2 =	vld [tilespmem:s22+$0xFFFFFFE0]  }
0x24: {  	v3 =	vld [tilespmem:s22+$0xFFFFFFF0]  }
0x25: {  	v4 =	vld [tilespmem:s22+$0x0]  }
0x26: {  	v6 =	vld [tilespmem:s22+$0x10]  }
0x27: {  	v7 =	vld [tilespmem:s22+$0x20]  }
0x28: {  	v8 =	vld [tilespmem:s22+$0xFFFFFFC0]  }
0x29: {  	v9 =	vld.idx.msk [tilespmem:v0+s2+$0x0], $0xffff  }
0x2a: {  	v10 =	vld.idx.msk [tilespmem:v1+s2+$0x0], $0xffff  }
0x2b: {  	v5 =	vld.idx.msk [tilespmem:v2+s2+$0x0], $0xffff  }
0x2c: {  	v3 =	vld.idx.msk [tilespmem:v3+s2+$0x0], $0xffff  }
0x2d: {  	v0 =	vld.idx.msk [tilespmem:v4+s2+$0x0], $0xffff  }
0x2e: {  	s22 =	simm.s32 $0x12040;
	v1 =	vld.idx.msk [tilespmem:v6+s2+$0x0], $0xffff  }
0x2f: {  	v2 =	vld.idx.msk [tilespmem:v7+s2+$0x0], $0xffff;
	[tilespmem:s22+$0x30] =	vst v9  }
0x30: {  	s23 =	simm.s32 $0x0;
	s24 =	simm.s32 $0x100C0;
	v4 =	vld.idx.msk [tilespmem:v8+s2+$0x0], $0xffff;
	[tilespmem:s22+$0xFFFFFFD0] =	vst v10  }
.LBB2_2:
0x31: {  	v6 =	vld [tilespmem:s24+$0x30];
	s23 =	sadd.s32 $0x8, s23;
	[tilespmem:s22+$0xFFFFFFE0] =	vst v5  }
0x32: {  	v5 =	vld [tilespmem:s24+$0xFFFFFFD0];
	p0 =	slt.u32 s23, $0xF8;
	[tilespmem:s22+$0xFFFFFFF0] =	vst v3  }
0x33: {  	v3 =	vld [tilespmem:s24+$0xFFFFFFE0];
	[tilespmem:s22+$0x0] =	vst v0  }
0x34: {  	v0 =	vld [tilespmem:s24+$0xFFFFFFF0];
	[tilespmem:s22+$0x10] =	vst v1  }
0x35: {  	v1 =	vld [tilespmem:s24+$0x0];
	[tilespmem:s22+$0x20] =	vst v2  }
0x36: {  	v2 =	vld [tilespmem:s24+$0x10];
	[tilespmem:s22+$0xFFFFFFC0] =	vst v4  }
0x37: {  	v4 =	vld [tilespmem:s24+$0x20]  }
0x38: {  	v7 =	vld [tilespmem:s24+$0xFFFFFFC0]  }
0x39: {  	v6 =	vld.idx.msk [tilespmem:v6+s2+$0x0], $0xffff  }
0x3a: {  	v8 =	vld.idx.msk [tilespmem:v5+s2+$0x0], $0xffff  }
0x3b: {  	v5 =	vld.idx.msk [tilespmem:v3+s2+$0x0], $0xffff  }
.Ltmp0:
0x3c: {  	v3 =	vld.idx.msk [tilespmem:v0+s2+$0x0], $0xffff;
	(pc) =	sbr.rel @p0 .LBB2_2-.Ltmp0, $4  }
0x3d: {  	v0 =	vld.idx.msk [tilespmem:v1+s2+$0x0], $0xffff  }
0x3e: {  	s22 =	sadd.s32 $0x80, s22;
	v1 =	vld.idx.msk [tilespmem:v2+s2+$0x0], $0xffff  }
0x3f: {  	v2 =	vld.idx.msk [tilespmem:v4+s2+$0x0], $0xffff;
	[tilespmem:s22+$0x30] =	vst v6  }
0x40: {  	s24 =	sadd.s32 $0x80, s24;
	v4 =	vld.idx.msk [tilespmem:v7+s2+$0x0], $0xffff;
	[tilespmem:s22+$0xFFFFFFD0] =	vst v8  }
0x41: {  	[tilespmem:s22+$0xFFFFFFE0] =	vst v5  }
0x42: {  	[tilespmem:s22+$0xFFFFFFF0] =	vst v3  }
0x43: {  	[tilespmem:s22+$0x0] =	vst v0  }
0x44: {  	[tilespmem:s22+$0x10] =	vst v1  }
0x45: {  	[tilespmem:s22+$0x20] =	vst v2  }
0x46: {  	[tilespmem:s22+$0xFFFFFFC0] =	vst v4  }
0x47: {  	[hbm4b:s7+s10] =	stream.strided.scatter [tilespmem:s16], [sflag:$0x3], $0x1000, s11, s10, $0x38;
	[tilespmem:$0x14000] =	vst v63  }
0x48: {  	_ =	swait.ge [sflag:s17], $0x8000  }
0x49: {  	[sflag:s17] =	ssyncset.done $0x0  }
0x4a: {  	[sflag:s17] =	ssyncadd.s32 $0xFFFF8000  }
0x4b: {  	_ =	swait.ge [sflag:s17], $0x1000  }
0x4c: {  	[sflag:s17] =	ssyncset.done $0x0  }
0x4d: {  	s31 =	simm.s32 $0x11040;
	[sflag:s17] =	ssyncadd.s32 $0xFFFFF000  }
0x4e: {  	v0 =	vld [tilespmem:s31+$0x30]  }
0x4f: {  	v1 =	vld [tilespmem:s31+$0xFFFFFFD0]  }
0x50: {  	v2 =	vld [tilespmem:s31+$0xFFFFFFE0]  }
0x51: {  	v3 =	vld [tilespmem:s31+$0xFFFFFFF0]  }
0x52: {  	v4 =	vld [tilespmem:s31+$0x0]  }
0x53: {  	v6 =	vld [tilespmem:s31+$0x10]  }
0x54: {  	v7 =	vld [tilespmem:s31+$0x20]  }
0x55: {  	v8 =	vld [tilespmem:s31+$0xFFFFFFC0]  }
0x56: {  	v9 =	vld.idx.msk [tilespmem:v0+s13+$0x0], $0xffff  }
0x57: {  	v10 =	vld.idx.msk [tilespmem:v1+s13+$0x0], $0xffff  }
0x58: {  	v5 =	vld.idx.msk [tilespmem:v2+s13+$0x0], $0xffff  }
0x59: {  	v3 =	vld.idx.msk [tilespmem:v3+s13+$0x0], $0xffff  }
0x5a: {  	v0 =	vld.idx.msk [tilespmem:v4+s13+$0x0], $0xffff  }
0x5b: {  	s22 =	simm.s32 $0x13040;
	v1 =	vld.idx.msk [tilespmem:v6+s13+$0x0], $0xffff  }
0x5c: {  	v2 =	vld.idx.msk [tilespmem:v7+s13+$0x0], $0xffff;
	[tilespmem:s22+$0x30] =	vst v9  }
0x5d: {  	s23 =	simm.s32 $0x0;
	s24 =	simm.s32 $0x110C0;
	v4 =	vld.idx.msk [tilespmem:v8+s13+$0x0], $0xffff;
	[tilespmem:s22+$0xFFFFFFD0] =	vst v10  }
.LBB2_4:
0x5e: {  	v6 =	vld [tilespmem:s24+$0x30];
	s23 =	sadd.s32 $0x8, s23;
	[tilespmem:s22+$0xFFFFFFE0] =	vst v5  }
0x5f: {  	v5 =	vld [tilespmem:s24+$0xFFFFFFD0];
	p0 =	slt.u32 s23, $0xF8;
	[tilespmem:s22+$0xFFFFFFF0] =	vst v3  }
0x60: {  	v3 =	vld [tilespmem:s24+$0xFFFFFFE0];
	[tilespmem:s22+$0x0] =	vst v0  }
0x61: {  	v0 =	vld [tilespmem:s24+$0xFFFFFFF0];
	[tilespmem:s22+$0x10] =	vst v1  }
0x62: {  	v1 =	vld [tilespmem:s24+$0x0];
	[tilespmem:s22+$0x20] =	vst v2  }
0x63: {  	v2 =	vld [tilespmem:s24+$0x10];
	[tilespmem:s22+$0xFFFFFFC0] =	vst v4  }
0x64: {  	v4 =	vld [tilespmem:s24+$0x20]  }
0x65: {  	v7 =	vld [tilespmem:s24+$0xFFFFFFC0]  }
0x66: {  	v6 =	vld.idx.msk [tilespmem:v6+s13+$0x0], $0xffff  }
0x67: {  	v8 =	vld.idx.msk [tilespmem:v5+s13+$0x0], $0xffff  }
0x68: {  	v5 =	vld.idx.msk [tilespmem:v3+s13+$0x0], $0xffff  }
.Ltmp1:
0x69: {  	v3 =	vld.idx.msk [tilespmem:v0+s13+$0x0], $0xffff;
	(pc) =	sbr.rel @p0 .LBB2_4-.Ltmp1, $4  }
0x6a: {  	v0 =	vld.idx.msk [tilespmem:v1+s13+$0x0], $0xffff  }
0x6b: {  	s22 =	sadd.s32 $0x80, s22;
	v1 =	vld.idx.msk [tilespmem:v2+s13+$0x0], $0xffff  }
0x6c: {  	v2 =	vld.idx.msk [tilespmem:v4+s13+$0x0], $0xffff;
	[tilespmem:s22+$0x30] =	vst v6  }
0x6d: {  	s24 =	sadd.s32 $0x80, s24;
	v4 =	vld.idx.msk [tilespmem:v7+s13+$0x0], $0xffff;
	[tilespmem:s22+$0xFFFFFFD0] =	vst v8  }
0x6e: {  	[tilespmem:s22+$0xFFFFFFE0] =	vst v5  }
0x6f: {  	[tilespmem:s22+$0xFFFFFFF0] =	vst v3  }
0x70: {  	[tilespmem:s22+$0x0] =	vst v0  }
0x71: {  	[tilespmem:s22+$0x10] =	vst v1  }
0x72: {  	[tilespmem:s22+$0x20] =	vst v2  }
0x73: {  	s21 =	sadd.s32 $0x1, s21;
	[tilespmem:s22+$0xFFFFFFC0] =	vst v4  }
0x74: {  	[hbm4b:s8+s10] =	stream.strided.scatter [tilespmem:s18], [sflag:$0x4], $0x1000, s11, s10, $0x38;
	[tilespmem:$0x14000] =	vst v63  }
0x75: {  	p0 =	sne.s32 s21, s9;
	_ =	swait.ge [sflag:s19], $0x1000  }
.Ltmp2:
0x76: {  	[sflag:s19] =	ssyncset.done $0x0;
	(pc) =	sbr.rel @p0 .LBB2_1-.Ltmp2, $4  }
0x77: {  	[sflag:s19] =	ssyncadd.s32 $0xFFFFF000  }
0x78: {  	_ =	swait.ge [sflag:s20], $0x1000  }
0x79: {  	[sflag:s20] =	ssyncset.done $0x0  }
0x7a: {  	[sflag:s20] =	ssyncadd.s32 $0xFFFFF000  }
0x7b: {  	_ =	sfence.sel $0x180000  }
0x7c: {  	[bflag:$0x0] =	sbarrier.arrive $0xFFFF  }
0x7d: {  	p0 =	sne.s32 s1, $0x0;
	_ =	strace $0x90000047  }
0x7e: {  	s0 =	sadd.s32 @!p0 $0x100000, s0;
	[bflag:$0x2] =	sbarrier.arrive $0xFFFF  }
0x7f: {  	[sflag:s0] =	ssyncadd.tile.s32 @!p0 $0x1;
	_ =	shalt  }
.Lfunc_end2:
_tile_overlayer_lowered:
.L_overlay_start_2:
0x80: {  	(tag) =	ssettag $0x2  }
0x81: {  	s0 =	rddreg [dreg:$0x0];
	s2 =	stileid.u32  }
0x82: {  	s1 =	rddreg [dreg:$0x1];
	p0 =	sne.s32 s2, $0x0  }
0x83: {  	s3 =	rddreg [dreg:$0x2];
	[bflag:$0x3] =	sbarrier.arrive $0xFFFF;
	s2 =	simm.s32 @!p0 $0x1C05  }
0x84: {  	[timem:s3], [sflag:s2] =	dma.local @!p0 [hbm:s0], s1  }
0x85: {  	s0 =	simm.s32 @!p0 $0x5  }
0x86: {  	_ =	swait.ge @!p0 [sflag:s0], s1  }
0x87: {  	s1 =	ssub.s32 @!p0 $0x0, s1;
	[sflag:s0] =	ssyncset.done @!p0 $0x0  }
0x88: {  	[sflag:s0] =	ssyncadd.s32 @!p0 s1  }
0x89: {  	[bflag:$0x3] =	sbarrier.arrive $0xFFFF  }
0x8a: {  	_ =	shalt  }

</sc_bundles>
